<compile_context>
chip_gen: v7x
topology: tpu7x:2x2x1
jax: 0.10.2.dev20260603
libtpu: 0.0.44.dev20260713+nightly
codegen_flags: <defaults>
</compile_context>

<pallas_src>
import functools

import jax
import jax.numpy as jnp
from jax import lax
from jax.experimental import pallas as pl
from jax.experimental.pallas import tpu as pltpu
from jax.experimental.pallas import tpu_sc as plsc

DN = ('NCHW', 'OIHW', 'NCHW')

N_TOK = 4096
D_EMB = 64
K_CB = 8192
TN = 512
TK = K_CB
NI = N_TOK // TN


def _conv(x, w, b, stride, pad):
    y = lax.conv_general_dilated(x, w, (stride, stride),
                                 ((pad, pad), (pad, pad)),
                                 dimension_numbers=DN)
    return y + b[None, :, None, None]


def _convT(x, w, b):
    y = lax.conv_transpose(x, w, (2, 2), 'SAME', dimension_numbers=DN)
    return y + b[None, :, None, None]


def _vq_body(zf_ref, cbt_ref, idx_ref, loss_ref):
    zf = zf_ref[...]
    cbt = cbt_ref[...]
    zn = jnp.sum(zf * zf, axis=1, keepdims=True)
    cn = jnp.sum(cbt * cbt, axis=0, keepdims=True)
    mm2 = lax.dot_general(zf * (-2.0), cbt, (((1,), (0,)), ((), ())),
                          preferred_element_type=jnp.float32)
    d = (zn + cn) + mm2
    lmin = jnp.min(d, axis=1, keepdims=True)
    ids = lax.broadcasted_iota(jnp.int32, (TN, TK), 1).astype(jnp.float32)
    larg_f = jnp.min(jnp.where(d == lmin, ids, float(K_CB)), axis=1,
                     keepdims=True)
    idx_ref[0, :, :] = larg_f.astype(jnp.int32)

    @pl.when(pl.program_id(0) == 0)
    def _():
        loss_ref[0, 0] = 0.0

    loss_ref[0, 0] += jnp.sum(lmin)


def _vq_argmin(zf, cbt):
    return pl.pallas_call(
        _vq_body,
        grid=(NI,),
        in_specs=[
            pl.BlockSpec((TN, D_EMB), lambda i: (i, 0)),
            pl.BlockSpec((D_EMB, TK), lambda i: (0, 0)),
        ],
        out_specs=[
            pl.BlockSpec((1, TN, 1), lambda i: (i, 0, 0)),
            pl.BlockSpec(memory_space=pltpu.SMEM),
        ],
        out_shape=[
            jax.ShapeDtypeStruct((NI, TN, 1), jnp.int32),
            jax.ShapeDtypeStruct((1, 1), jnp.float32),
        ],
    )(zf, cbt)


_NC, _NS = 2, 16
_NW = _NC * _NS
_BPW = N_TOK // _NW


@functools.cache
def _make_sc_gather():
    @functools.partial(
        pl.kernel,
        out_type=jax.ShapeDtypeStruct((N_TOK, D_EMB), jnp.float32),
        mesh=plsc.VectorSubcoreMesh(core_axis_name="c", subcore_axis_name="s"),
        scratch_types=[
            pltpu.VMEM((_BPW,), jnp.int32),
            pltpu.VMEM((_BPW, D_EMB), jnp.float32),
            pltpu.SemaphoreType.DMA,
        ],
        compiler_params=pltpu.CompilerParams(use_tc_tiling_on_sc=False),
    )
    def _sc_gather(table_hbm, idx_hbm, out_hbm, idx_v, rows_v, sem):
        wid = lax.axis_index("s") * _NC + lax.axis_index("c")
        base = wid * _BPW
        pltpu.sync_copy(idx_hbm.at[pl.ds(base, _BPW)], idx_v)
        pltpu.async_copy(table_hbm.at[idx_v], rows_v, sem).wait()
        pltpu.sync_copy(rows_v, out_hbm.at[pl.ds(base, _BPW)])

    return _sc_gather


def kernel(x, e1_w, e1_b, e2_w, e2_b, e3_w, e3_b, codebook,
           d1_w, d1_b, dt1_w, dt1_b, dt2_w, dt2_b,
           c1_w, c1_b, c2_w, c2_b, c3_w, c3_b, c4_w, c4_b, c5_w, c5_b):
    h = jax.nn.leaky_relu(_conv(x, e1_w, e1_b, 2, 1), 0.01)
    h = jax.nn.leaky_relu(_conv(h, e2_w, e2_b, 2, 1), 0.01)
    z = _conv(h, e3_w, e3_b, 1, 0)
    B, D, H, W = z.shape

    zf = jnp.transpose(z, (0, 2, 3, 1)).reshape(-1, D)
    idx3, loss_sum = _vq_argmin(zf, codebook.T)
    idx = idx3.reshape(-1)
    qf = _make_sc_gather()(codebook, idx)
    vq_loss = 1.25 * (loss_sum[0, 0] / (N_TOK * D_EMB))
    quantized = jnp.transpose(qf.reshape(B, H, W, D), (0, 3, 1, 2))

    d = jax.nn.leaky_relu(_conv(quantized, d1_w, d1_b, 1, 1), 0.01)
    d = jax.nn.leaky_relu(_convT(d, dt1_w, dt1_b), 0.01)
    x_recon = jnp.tanh(_convT(d, dt2_w, dt2_b))

    g = jax.nn.leaky_relu(_conv(x_recon, c1_w, c1_b, 2, 1), 0.2)
    g = jax.nn.leaky_relu(_conv(g, c2_w, c2_b, 2, 1), 0.2)
    g = jax.nn.leaky_relu(_conv(g, c3_w, c3_b, 2, 1), 0.2)
    g = jax.nn.leaky_relu(_conv(g, c4_w, c4_b, 1, 1), 0.2)
    disc = _conv(g, c5_w, c5_b, 1, 1)
    return (vq_loss, quantized, x_recon, disc)

# --- scband reference (transcript-rebuilt; emitter-appended) ---
"""Pipeline reference for scband-vqgan-11072425689453 (READ-ONLY COPY).

The authoritative reference and input builder live on the scoring server;
editing this copy changes nothing except your own understanding.
"""

import jax, jax.numpy as jnp
import numpy as np

DN = ('NCHW', 'OIHW', 'NCHW')


def conv(x, w, b, stride, pad):
    y = jax.lax.conv_general_dilated(x, w, (stride, stride), ((pad, pad), (pad, pad)), dimension_numbers=DN)
    return y + b[None, :, None, None]


def convT(x, w, b):
    y = jax.lax.conv_transpose(x, w, (2, 2), 'SAME', dimension_numbers=DN)
    return y + b[None, :, None, None]


def setup_inputs(seed: int = 0):
    key = jax.random.key(seed)
    ks = jax.random.split(key, 16)

    def w(k, shape, scale=0.05):
        return jax.random.normal(k, shape, dtype=jnp.float32) * scale

    inp = {}
    inp['x'] = jax.random.normal(ks[0], (4, 3, 128, 128), dtype=jnp.float32)
    # VQVAE encoder (hidden_dims=[128, 256], embedding_dim=64)
    inp['e1_w'] = w(ks[1], (128, 3, 4, 4)); inp['e1_b'] = jnp.zeros((128,), jnp.float32)
    inp['e2_w'] = w(ks[2], (256, 128, 4, 4)); inp['e2_b'] = jnp.zeros((256,), jnp.float32)
    inp['e3_w'] = w(ks[3], (64, 256, 1, 1)); inp['e3_b'] = jnp.zeros((64,), jnp.float32)
    # codebook: num_embeddings=8192, embedding_dim=64
    inp['codebook'] = w(ks[4], (8192, 64), 1.0)
    # decoder
    inp['d1_w'] = w(ks[5], (256, 64, 3, 3)); inp['d1_b'] = jnp.zeros((256,), jnp.float32)
    inp['dt1_w'] = w(ks[6], (128, 256, 4, 4)); inp['dt1_b'] = jnp.zeros((128,), jnp.float32)
    inp['dt2_w'] = w(ks[7], (3, 128, 4, 4)); inp['dt2_b'] = jnp.zeros((3,), jnp.float32)
    # PatchGAN discriminator (ndf=64, n_layers=3)
    inp['c1_w'] = w(ks[8], (64, 3, 4, 4)); inp['c1_b'] = jnp.zeros((64,), jnp.float32)
    inp['c2_w'] = w(ks[9], (128, 64, 4, 4)); inp['c2_b'] = jnp.zeros((128,), jnp.float32)
    inp['c3_w'] = w(ks[10], (256, 128, 4, 4)); inp['c3_b'] = jnp.zeros((256,), jnp.float32)
    inp['c4_w'] = w(ks[11], (512, 256, 4, 4)); inp['c4_b'] = jnp.zeros((512,), jnp.float32)
    inp['c5_w'] = w(ks[12], (1, 512, 4, 4)); inp['c5_b'] = jnp.zeros((1,), jnp.float32)
    return inp


def reference(x, e1_w, e1_b, e2_w, e2_b, e3_w, e3_b, codebook, d1_w, d1_b, dt1_w, dt1_b, dt2_w, dt2_b, c1_w, c1_b, c2_w, c2_b, c3_w, c3_b, c4_w, c4_b, c5_w, c5_b):
    beta = 0.25
    # ---- VQVAE encoder ----
    h = jax.nn.leaky_relu(conv(x, e1_w, e1_b, 2, 1), 0.01)
    h = jax.nn.leaky_relu(conv(h, e2_w, e2_b, 2, 1), 0.01)
    z = conv(h, e3_w, e3_b, 1, 0)  # [B, D, H, W]
    B, D, H, W = z.shape
    # ---- vector quantization ----
    zf = jnp.transpose(z, (0, 2, 3, 1)).reshape(-1, D)
    dist = (jnp.sum(zf ** 2, axis=1, keepdims=True)
            + jnp.sum(codebook ** 2, axis=1)[None, :]
            - 2.0 * zf @ codebook.T)
    idx = jnp.argmin(dist, axis=1)
    qf = jnp.take(codebook, idx, axis=0)
    commitment_loss = jnp.mean((jax.lax.stop_gradient(qf) - zf) ** 2)
    embedding_loss = jnp.mean((qf - jax.lax.stop_gradient(zf)) ** 2)
    vq_loss = embedding_loss + beta * commitment_loss
    qf = zf + jax.lax.stop_gradient(qf - zf)  # straight-through
    quantized = jnp.transpose(qf.reshape(B, H, W, D), (0, 3, 1, 2))
    # ---- VQVAE decoder ----
    d = jax.nn.leaky_relu(conv(quantized, d1_w, d1_b, 1, 1), 0.01)
    d = jax.nn.leaky_relu(convT(d, dt1_w, dt1_b), 0.01)
    x_recon = jnp.tanh(convT(d, dt2_w, dt2_b))
    # ---- PatchGAN discriminator on x_recon ----
    g = jax.nn.leaky_relu(conv(x_recon, c1_w, c1_b, 2, 1), 0.2)
    g = jax.nn.leaky_relu(conv(g, c2_w, c2_b, 2, 1), 0.2)
    g = jax.nn.leaky_relu(conv(g, c3_w, c3_b, 2, 1), 0.2)
    g = jax.nn.leaky_relu(conv(g, c4_w, c4_b, 1, 1), 0.2)
    disc = conv(g, c5_w, c5_b, 1, 1)
    return (vq_loss, quantized, x_recon, disc)

if __name__ == "__main__":
    import jax
    _d = setup_inputs()
    print(jax.jit(kernel)(*tuple(_d.values())))

</pallas_src>

<mosaic_0001>
#map = affine_map<(d0, d1) -> (0, 0)>
#map1 = affine_map<(d0, d1) -> (0)>
module attributes {stable_mosaic.version = 14 : i64} {
  func.func @_sc_gather(%arg0: i32, %arg1: i32, %arg2: memref<8192x64xf32, #tpu.memory_space<hbm>>, %arg3: memref<4096xi32, #tpu.memory_space<hbm>>, %arg4: memref<4096x64xf32, #tpu.memory_space<hbm>>, %arg5: memref<128xi32, #tpu.memory_space<vmem>>, %arg6: memref<128x64xf32, #tpu.memory_space<vmem>>, %arg7: memref<!tpu.dma_semaphore, #tpu.memory_space<semaphore_mem>>) attributes {dimension_semantics = [#tpu.dimension_semantics<core_parallel>, #tpu.dimension_semantics<subcore_parallel>], iteration_bounds = array<i64: 2, 16>, scalar_prefetch = 0 : i64, scratch_operands = 3 : i64, tpu.core_type = #tpu.core_type<sc_vector_subcore>, window_params = [{transform_indices = #map}, {transform_indices = #map1}, {transform_indices = #map}]} {
    %mul3A = arith.constant 2 : i32
    %mul3A_0 = arith.muli %arg1, %mul3A : i32
    %add3A = arith.addi %mul3A_0, %arg0 : i32
    %mul3A_1 = arith.constant 128 : i32
    %mul3A_2 = arith.muli %add3A, %mul3A_1 : i32
    "tpu.region"() ({
      %run_scoped3A = tpu.sem_alloc : memref<!tpu.dma_semaphore, #tpu.memory_space<semaphore_mem>>
      %dma_start3A_7 = tpu.memref_slice %arg3[%mul3A_2] : memref<4096xi32, #tpu.memory_space<hbm>> -> memref<128xi32, #tpu.memory_space<hbm>>
      %dma_start3A_8 = tpu.memref_slice %arg3[%mul3A_2] : memref<4096xi32, #tpu.memory_space<hbm>> -> memref<128xi32, #tpu.memory_space<hbm>>
      tpu.enqueue_dma source(%dma_start3A_8 : memref<128xi32, #tpu.memory_space<hbm>>) target(%arg5 : memref<128xi32, #tpu.memory_space<vmem>>) target_semaphore(%run_scoped3A : memref<!tpu.dma_semaphore, #tpu.memory_space<semaphore_mem>>)
      %dma_wait3A_9 = tpu.memref_slice %arg3[%mul3A_2] : memref<4096xi32, #tpu.memory_space<hbm>> -> memref<128xi32, #tpu.memory_space<hbm>>
      %dma_wait3A_10 = tpu.memref_slice %arg3[%mul3A_2] : memref<4096xi32, #tpu.memory_space<hbm>> -> memref<128xi32, #tpu.memory_space<hbm>>
      tpu.wait_dma2 semaphore(%run_scoped3A : memref<!tpu.dma_semaphore, #tpu.memory_space<semaphore_mem>>) src(%dma_wait3A_10 : memref<128xi32, #tpu.memory_space<hbm>>) dst(%arg5 : memref<128xi32, #tpu.memory_space<vmem>>)
      tpu.yield
    }) : () -> ()
    %dma_start3A = arith.constant 0 : i32
    %dma_start3A_3 = arith.constant 0 : i32
    %dma_start3A_4 = tpu.memref_slice %arg2[%dma_start3A, %dma_start3A_3] : memref<8192x64xf32, #tpu.memory_space<hbm>> -> memref<8192x64xf32, #tpu.memory_space<hbm>>
    tpu.enqueue_indirect_dma source(%dma_start3A_4 : memref<8192x64xf32, #tpu.memory_space<hbm>>) target(%arg6 : memref<128x64xf32, #tpu.memory_space<vmem>>) offsets(%arg5 : memref<128xi32, #tpu.memory_space<vmem>>) semaphore(%arg7 : memref<!tpu.dma_semaphore, #tpu.memory_space<semaphore_mem>>)
    %dma_wait3A = arith.constant 0 : i32
    %dma_wait3A_5 = arith.constant 0 : i32
    %dma_wait3A_6 = tpu.memref_slice %arg2[%dma_wait3A, %dma_wait3A_5] : memref<8192x64xf32, #tpu.memory_space<hbm>> -> memref<8192x64xf32, #tpu.memory_space<hbm>>
    tpu.wait_indirect_dma semaphore(%arg7 : memref<!tpu.dma_semaphore, #tpu.memory_space<semaphore_mem>>) src(%dma_wait3A_6 : memref<8192x64xf32, #tpu.memory_space<hbm>>) dst(%arg6 : memref<128x64xf32, #tpu.memory_space<vmem>>)
    "tpu.region"() ({
      %run_scoped3A = tpu.sem_alloc : memref<!tpu.dma_semaphore, #tpu.memory_space<semaphore_mem>>
      %dma_start3A_7 = arith.constant 0 : i32
      %dma_start3A_8 = tpu.memref_slice %arg4[%mul3A_2, %dma_start3A_7] : memref<4096x64xf32, #tpu.memory_space<hbm>> -> memref<128x64xf32, #tpu.memory_space<hbm>>
      %dma_start3A_9 = arith.constant 0 : i32
      %dma_start3A_10 = tpu.memref_slice %arg4[%mul3A_2, %dma_start3A_9] : memref<4096x64xf32, #tpu.memory_space<hbm>> -> memref<128x64xf32, #tpu.memory_space<hbm>>
      tpu.enqueue_dma source(%arg6 : memref<128x64xf32, #tpu.memory_space<vmem>>) target(%dma_start3A_10 : memref<128x64xf32, #tpu.memory_space<hbm>>) target_semaphore(%run_scoped3A : memref<!tpu.dma_semaphore, #tpu.memory_space<semaphore_mem>>)
      %dma_wait3A_11 = arith.constant 0 : i32
      %dma_wait3A_12 = tpu.memref_slice %arg4[%mul3A_2, %dma_wait3A_11] : memref<4096x64xf32, #tpu.memory_space<hbm>> -> memref<128x64xf32, #tpu.memory_space<hbm>>
      %dma_wait3A_13 = arith.constant 0 : i32
      %dma_wait3A_14 = tpu.memref_slice %arg4[%mul3A_2, %dma_wait3A_13] : memref<4096x64xf32, #tpu.memory_space<hbm>> -> memref<128x64xf32, #tpu.memory_space<hbm>>
      tpu.wait_dma2 semaphore(%run_scoped3A : memref<!tpu.dma_semaphore, #tpu.memory_space<semaphore_mem>>) src(%arg6 : memref<128x64xf32, #tpu.memory_space<vmem>>) dst(%dma_wait3A_14 : memref<128x64xf32, #tpu.memory_space<hbm>>)
      tpu.yield
    }) : () -> ()
    return
  }
}

module attributes {stable_mosaic.version = 14 : i64} {
  func.func @_vq_body(%arg0: i32, %arg1: memref<512x64xf32, #tpu.memory_space<vmem>>, %arg2: memref<64x8192xf32, #tpu.memory_space<vmem>>, %arg3: memref<1x512x1xi32, #tpu.memory_space<vmem>>, %arg4: memref<1x1xf32, #tpu.memory_space<smem>>) attributes {dimension_semantics = [#tpu.dimension_semantics<arbitrary>], iteration_bounds = array<i64: 8>, scalar_prefetch = 0 : i64, scratch_operands = 0 : i64, tpu.core_type = #tpu.core_type<tc>, window_params = [{transform_indices = @transform_0, window_bounds = array<i64: 512, 64>}, {pipeline_mode = #tpu.pipeline_mode<synchronous>, transform_indices = @transform_1, window_bounds = array<i64: 64, 8192>}, {transform_indices = @transform_2, window_bounds = array<i64: 1, 512, 1>}, {transform_indices = @transform_3, window_bounds = array<i64: 1, 1>}]} {
    %get3A = arith.constant 0 : index
    %get3A_0 = arith.constant 0 : index
    %get3A_1 = vector.load %arg1[%get3A, %get3A_0] : memref<512x64xf32, #tpu.memory_space<vmem>>, vector<512x64xf32>
    %get3A_2 = arith.constant 0 : index
    %get3A_3 = arith.constant 0 : index
    %get3A_4 = vector.load %arg2[%get3A_2, %get3A_3] : memref<64x8192xf32, #tpu.memory_space<vmem>>, vector<64x8192xf32>
    %mul3A = arith.mulf %get3A_1, %get3A_1 : vector<512x64xf32>
    %reduce_sum3A = arith.constant dense<0.000000e+00> : vector<512xf32>
    %reduce_sum3A_5 = vector.multi_reduction <add>, %mul3A, %reduce_sum3A [1] : vector<512x64xf32> to vector<512xf32>
    %broadcast_in_dim3A = vector.shape_cast %reduce_sum3A_5 : vector<512xf32> to vector<512x1xf32>
    %mul3A_6 = arith.mulf %get3A_4, %get3A_4 : vector<64x8192xf32>
    %reduce_sum3A_7 = arith.constant dense<0.000000e+00> : vector<8192xf32>
    %reduce_sum3A_8 = vector.multi_reduction <add>, %mul3A_6, %reduce_sum3A_7 [0] : vector<64x8192xf32> to vector<8192xf32>
    %broadcast_in_dim3A_9 = vector.shape_cast %reduce_sum3A_8 : vector<8192xf32> to vector<1x8192xf32>
    %mul3A_10 = arith.constant -2.000000e+00 : f32
    %mul3A_11 = vector.broadcast %mul3A_10 : f32 to vector<512x64xf32>
    %mul3A_12 = arith.mulf %get3A_1, %mul3A_11 : vector<512x64xf32>
    %dot_general3A = arith.constant dense<0.000000e+00> : vector<512x8192xf32>
    %dot_general3A_13 = tpu.matmul %mul3A_12, %get3A_4, %dot_general3A {dimension_numbers = #tpu.dot_dimension_numbers<[1], [0], [0], [1], [0, 0, 1, 1], [], []>, transpose_lhs_hint = false} : vector<512x64xf32>, vector<64x8192xf32>, vector<512x8192xf32> -> vector<512x8192xf32>
    %add3A = vector.broadcast %broadcast_in_dim3A : vector<512x1xf32> to vector<512x8192xf32>
    %add3A_14 = vector.broadcast %broadcast_in_dim3A_9 : vector<1x8192xf32> to vector<512x8192xf32>
    %add3A_15 = arith.addf %add3A, %add3A_14 : vector<512x8192xf32>
    %add3A_16 = arith.addf %add3A_15, %dot_general3A_13 : vector<512x8192xf32>
    %reduce_min3A = arith.constant dense<0x7F800000> : vector<512xf32>
    %reduce_min3A_17 = vector.multi_reduction <minimumf>, %add3A_16, %reduce_min3A [1] : vector<512x8192xf32> to vector<512xf32>
    %broadcast_in_dim3A_18 = vector.shape_cast %reduce_min3A_17 : vector<512xf32> to vector<512x1xf32>
    %iota3A = tpu.iota {dimensions = array<i32: 1>} : vector<512x8192xi32>
    %convert_element_type3A = arith.sitofp %iota3A : vector<512x8192xi32> to vector<512x8192xf32>
    %eq3A = vector.broadcast %broadcast_in_dim3A_18 : vector<512x1xf32> to vector<512x8192xf32>
    %eq3A_19 = arith.cmpf oeq, %add3A_16, %eq3A : vector<512x8192xf32>
    %jit3A = arith.constant 8.192000e+03 : f32
    %broadcast_in_dim3A_20 = vector.broadcast %jit3A : f32 to vector<512x8192xf32>
    %select_n3A = arith.select %eq3A_19, %convert_element_type3A, %broadcast_in_dim3A_20 : vector<512x8192xi1>, vector<512x8192xf32>
    %reduce_min3A_21 = arith.constant dense<0x7F800000> : vector<512xf32>
    %reduce_min3A_22 = vector.multi_reduction <minimumf>, %select_n3A, %reduce_min3A_21 [1] : vector<512x8192xf32> to vector<512xf32>
    %broadcast_in_dim3A_23 = vector.shape_cast %reduce_min3A_22 : vector<512xf32> to vector<512x1xf32>
    %convert_element_type3A_24 = arith.fptosi %broadcast_in_dim3A_23 : vector<512x1xf32> to vector<512x1xi32>
    %swap3A = arith.constant 0 : index
    %swap3A_25 = arith.constant 0 : index
    %swap3A_26 = arith.constant 0 : index
    %swap3A_27 = vector.load %arg3[%swap3A, %swap3A_25, %swap3A_26] : memref<1x512x1xi32, #tpu.memory_space<vmem>>, vector<1x512x1xi32>
    %swap3A_28 = vector.shape_cast %swap3A_27 : vector<1x512x1xi32> to vector<512x1xi32>
    %swap3A_29 = vector.shape_cast %convert_element_type3A_24 : vector<512x1xi32> to vector<1x512x1xi32>
    tpu.vector_store %arg3[%swap3A, %swap3A_25, %swap3A_26], %swap3A_29 {strides = array<i32>} : memref<1x512x1xi32, #tpu.memory_space<vmem>>, vector<1x512x1xi32>,
    %eq3A_30 = arith.constant 0 : i32
    %eq3A_31 = arith.cmpi eq, %arg0, %eq3A_30 : i32
    %convert_element_type3A_32 = arith.extui %eq3A_31 : i1 to i32
    %cond3A = arith.constant 0 : i32
    %cond3A_33 = arith.cmpi ne, %convert_element_type3A_32, %cond3A : i32
    scf.if %cond3A_33 {
      %swap3A_46 = arith.constant 0.000000e+00 : f32
      %swap3A_47 = arith.constant 0 : index
      %swap3A_48 = arith.constant 0 : index
      %swap3A_49 = memref.load %arg4[%swap3A_47, %swap3A_48] : memref<1x1xf32, #tpu.memory_space<smem>>
      memref.store %swap3A_46, %arg4[%swap3A_47, %swap3A_48] : memref<1x1xf32, #tpu.memory_space<smem>>
    } else {
    }
    %get3A_34 = arith.constant 0 : index
    %get3A_35 = arith.constant 0 : index
    %get3A_36 = memref.load %arg4[%get3A_34, %get3A_35] : memref<1x1xf32, #tpu.memory_space<smem>>
    %reduce_sum3A_37 = vector.shape_cast %broadcast_in_dim3A_18 : vector<512x1xf32> to vector<1x512x1xf32>
    %reduce_sum3A_38 = arith.constant dense<0.000000e+00> : vector<1xf32>
    %reduce_sum3A_39 = vector.multi_reduction <add>, %reduce_sum3A_37, %reduce_sum3A_38 [1, 2] : vector<1x512x1xf32> to vector<1xf32>
    %reduce_sum3A_40 = vector.shape_cast %reduce_sum3A_39 : vector<1xf32> to vector<1x1x1xf32>
    %reduce_sum3A_41 = vector.extract %reduce_sum3A_40[0, 0, 0] : f32 from vector<1x1x1xf32>
    %add3A_42 = arith.addf %get3A_36, %reduce_sum3A_41 : f32
    %swap3A_43 = arith.constant 0 : index
    %swap3A_44 = arith.constant 0 : index
    %swap3A_45 = memref.load %arg4[%swap3A_43, %swap3A_44] : memref<1x1xf32, #tpu.memory_space<smem>>
    memref.store %add3A_42, %arg4[%swap3A_43, %swap3A_44] : memref<1x1xf32, #tpu.memory_space<smem>>
    return
  }
  func.func @transform_0(%arg0: i32) -> (i32, i32) {
    %c0_i32 = arith.constant 0 : i32
    %c0_i32_0 = arith.constant 0 : i32
    return %arg0, %c0_i32 : i32, i32
  }
  func.func @transform_1(%arg0: i32) -> (i32, i32) {
    %c0_i32 = arith.constant 0 : i32
    %c0_i32_0 = arith.constant 0 : i32
    %c0_i32_1 = arith.constant 0 : i32
    return %c0_i32, %c0_i32_0 : i32, i32
  }
  func.func @transform_2(%arg0: i32) -> (i32, i32, i32) {
    %c0_i32 = arith.constant 0 : i32
    %c0_i32_0 = arith.constant 0 : i32
    %c0_i32_1 = arith.constant 0 : i32
    return %arg0, %c0_i32, %c0_i32_0 : i32, i32, i32
  }
  func.func @transform_3(%arg0: i32) -> (i32, i32) {
    %c0_i32 = arith.constant 0 : i32
    %c0_i32_0 = arith.constant 0 : i32
    %c0_i32_1 = arith.constant 0 : i32
    return %c0_i32, %c0_i32_0 : i32, i32
  }
}

</mosaic_0001>

<sc_bundles>
// kernel: kernel.4.cloned.1.call-start
scs
__scs_entry_jumppad:
0x0: {  	(pc) =	sbr.rel $0x88, $3  }
0x1: {  	(tag) =	ssettag $0x0;
	lr =	simm.s32 $0x1  }
0x2: {  	[smem:$0x3F89] =	sst lr;
	_ =	strace $0xD0000000  }
0x3: {  	_ = 	snop  }
0x4: {  	_ = 	snop  }
0x5: {  	_ = 	snop  }
0x6: {  	_ = 	snop  }
0x7: {  	_ = 	snop  }
__scs_overlays_trampoline_lowered:
0x8: {  	[smem:$0x3F98] =	sst s0  }
0x9: {  	[smem:$0x3F99] =	sst s1  }
0xa: {  	[smem:$0x3F9A] =	sst s2  }
0xb: {  	[smem:$0x3F9B] =	sst s3  }
0xc: {  	[smem:$0x3F9C] =	sst s4  }
0xd: {  	[smem:$0x3F9D] =	sst s5  }
0xe: {  	[smem:$0x3F9E] =	sst s6  }
0xf: {  	[smem:$0x3F9F] =	sst s7  }
0x10: {  	[smem:$0x3FA0] =	sst s8  }
0x11: {  	[smem:$0x3FA1] =	sst s9;
	s0 =	simm.s32 @!p0 $0x0  }
0x12: {  	s1 =	sld [smem:$0x3F87];
	s0 =	simm.s32 @p0 $0x1  }
0x13: {  	[smem:$0x3FA2] =	sst s0;
	s0 =	simm.s32 @!p1 $0x0  }
0x14: {  	s2 =	sld [smem:$0x3F86];
	s0 =	simm.s32 @p1 $0x1  }
0x15: {  	[smem:$0x3FA3] =	sst s0;
	s0 =	simm.s32 @!p2 $0x0  }
0x16: {  	s3 =	sld [smem:$0x3FDB];
	s0 =	simm.s32 @p2 $0x1  }
0x17: {  	s4 =	simm.s32 $0x1BF5;
	[smem:$0x3FA5] =	sst s0  }
0x18: {  	s0 =	sld [smem:$0x3F88];
	_ =	swait.ge [sflag:s4], $0x0  }
0x19: {  	s7 =	sld [smem:$0x3F89]  }
0x1a: {  	s8 =	sadd.s32 $0xFFFFE003, lr  }
0x1b: {  	s9 =	sadd.s32 $0xFFFFFEF7, lr;
	s5 =	simm.s32 $0xFFFFFFFF;
	p2 =	slt.u32 s8, $0xFFFFF086  }
0x1c: {  	p1 =	slt.u32 s9, $0xF7A;
	s5 =	simm.s32 @!p2 $0x0  }
0x1d: {  	s5 =	simm.s32 @p1 $0x1;
	p0 =	seq.s32 s7, s2  }
0x1e: {  	s7 =	smul.u32 @!p0 $0xF7A, s2;
	p2 =	seq.s32 @!p0 s5, $0x0  }
0x1f: {  	s9 =	smul.u32 $0xF7A, s1;
	s8 =	simm.s32 @!p0 $0x1BF5;
	p2 =	por !p2, p0  }
0x20: {  	[sflag:s8] =	ssyncset.s32 @!p0 $0xFFFFF086;
	s6 =	sadd.s32 @!p0 s3, s7;
	s7 =	simm.s32 @!p0 $0x108  }
0x21: {  	s3 =	sadd.s32 s3, s9;
	s6 =	sadd.s32 @!p0 $0x88, s6;
	s7 =	simm.s32 @p2 $0x1082  }
0x22: {  	[simem:s7], [sflag:s8] =	dma.local @!p0 [hbm:s6], $0xF7A  }
0x23: {  	s9 =	sor.u32 $0xD0000000, s2;
	s6 =	simm.s32 $0x108;
	_ =	swait.ge @!p0 [sflag:s8], $0x0  }
0x24: {  	s3 =	sadd.s32 $0x88, s3;
	s6 =	simm.s32 @!p1 $0x1082;
	[sflag:s4] =	ssyncset.s32 $0xFFFFF086  }
0x25: {  	[simem:s6], [sflag:s4] =	dma.local [hbm:s3], $0xF7A  }
0x26: {  	[smem:$0x3F89] =	sst s1;
	(tag) =	ssettag s2;
	_ =	strace s9  }
0x27: {  	s1 =	sld [smem:$0x3F99]  }
0x28: {  	s2 =	sld [smem:$0x3F9A]  }
0x29: {  	s4 =	sld [smem:$0x3F9C]  }
0x2a: {  	p0 =	seq.s32 s5, $0x0;
	s5 =	sld [smem:$0x3F9D]  }
0x2b: {  	s6 =	sld [smem:$0x3F9E]  }
0x2c: {  	s7 =	sld [smem:$0x3F9F]  }
0x2d: {  	s3 =	simm.s32 $0x108;
	s8 =	sld [smem:$0x3FA0]  }
0x2e: {  	s3 =	simm.s32 @!p0 $0x1082;
	s9 =	sld [smem:$0x3FA1]  }
0x2f: {  	lr =	sadd.s32 s0, s3;
	s0 =	sld [smem:$0x3F98]  }
0x30: {  	s3 =	sld [smem:$0x3F9B]  }
0x31: {  	[smem:$0x3FA4] =	sst s10  }
0x32: {  	s10 =	sld [smem:$0x3FA2];
	_ =	sdelay $0x3  }
0x33: {  	p0 =	seq.s32 s10, $0x1;
	s10 =	sld [smem:$0x3FA4];
	_ =	sdelay $0x3  }
0x34: {  	[smem:$0x3FA4] =	sst s10  }
0x35: {  	s10 =	sld [smem:$0x3FA3];
	_ =	sdelay $0x3  }
0x36: {  	p1 =	seq.s32 s10, $0x1;
	s10 =	sld [smem:$0x3FA4];
	_ =	sdelay $0x3  }
0x37: {  	[smem:$0x3FA4] =	sst s10  }
0x38: {  	s10 =	sld [smem:$0x3FA5]  }
0x39: {  	_ = 	snop;
	(pc) =	sbr.ind lr, $3  }
0x3a: {  	_ = 	snop  }
0x3b: {  	_ = 	snop  }
0x3c: {  	p2 =	seq.s32 s10, $0x1;
	s10 =	sld [smem:$0x3FA4]  }
0x3d: {  	_ =	shalt  }
0x3e: {  	_ =	shalt  }
0x3f: {  	_ =	shalt  }
0x40: {  	_ =	shalt  }
0x41: {  	_ =	shalt  }
0x42: {  	_ =	shalt  }
0x43: {  	_ =	shalt  }
0x44: {  	_ =	shalt  }
0x45: {  	_ =	shalt  }
0x46: {  	_ =	shalt  }
0x47: {  	_ =	shalt  }
0x48: {  	_ =	shalt  }
0x49: {  	_ =	shalt  }
0x4a: {  	_ =	shalt  }
0x4b: {  	_ =	shalt  }
0x4c: {  	_ =	shalt  }
0x4d: {  	_ =	shalt  }
0x4e: {  	_ =	shalt  }
0x4f: {  	_ =	shalt  }
0x50: {  	_ =	shalt  }
0x51: {  	_ =	shalt  }
0x52: {  	_ =	shalt  }
0x53: {  	_ =	shalt  }
0x54: {  	_ =	shalt  }
0x55: {  	_ =	shalt  }
0x56: {  	_ =	shalt  }
0x57: {  	_ =	shalt  }
0x58: {  	_ =	shalt  }
0x59: {  	_ =	shalt  }
0x5a: {  	_ =	shalt  }
0x5b: {  	_ =	shalt  }
0x5c: {  	_ =	shalt  }
0x5d: {  	_ =	shalt  }
0x5e: {  	_ =	shalt  }
0x5f: {  	_ =	shalt  }
0x60: {  	_ =	shalt  }
0x61: {  	_ =	shalt  }
0x62: {  	_ =	shalt  }
0x63: {  	_ =	shalt  }
0x64: {  	_ =	shalt  }
0x65: {  	_ =	shalt  }
0x66: {  	_ =	shalt  }
0x67: {  	_ =	shalt  }
0x68: {  	_ =	shalt  }
0x69: {  	_ =	shalt  }
0x6a: {  	_ =	shalt  }
0x6b: {  	_ =	shalt  }
0x6c: {  	_ =	shalt  }
0x6d: {  	_ =	shalt  }
0x6e: {  	_ =	shalt  }
0x6f: {  	_ =	shalt  }
0x70: {  	_ =	shalt  }
0x71: {  	_ =	shalt  }
0x72: {  	_ =	shalt  }
0x73: {  	_ =	shalt  }
0x74: {  	_ =	shalt  }
0x75: {  	_ =	shalt  }
0x76: {  	_ =	shalt  }
0x77: {  	_ =	shalt  }
0x78: {  	_ =	shalt  }
0x79: {  	_ =	shalt  }
0x7a: {  	_ =	shalt  }
0x7b: {  	_ =	shalt  }
0x7c: {  	_ =	shalt  }
0x7d: {  	_ =	shalt  }
0x7e: {  	_ =	shalt  }
0x7f: {  	_ =	shalt  }
0x80: {  	_ =	shalt  }
0x81: {  	_ =	shalt  }
0x82: {  	_ =	shalt  }
0x83: {  	_ =	shalt  }
0x84: {  	_ =	shalt  }
0x85: {  	_ =	shalt  }
0x86: {  	_ =	shalt  }
0x87: {  	_ =	shalt  }
.Lfunc_end0:
.L_simem_size_0:
called_computation_lowered:
.L_overlay_start_0:
0x88: {  	s2 =	sld [smem:$0x3FD9]  }
0x89: {  	s3 =	sld [smem:$0x3FFE];
	_ =	sdelay $0x1  }
0x8a: {  	s1 =	srdreg.scid  }
0x8b: {  	s0 =	sand.u32 $0x1, s1  }
0x8c: {  	s14 =	sshll.u32 s0, $0xA;
	s2 =	sadd.s32 s3, s2  }
0x8d: {  	s2 =	sadd.s32 s2, s14  }
0x8e: {  	[smem:$0x3FB0] =	sst s2  }
0x8f: {  	_ = 	snop  }
0x90: {  	s2 =	sld [smem:$0x3FD0];
	_ =	sdelay $0x2  }
0x91: {  	s15 =	simm.s32 $0xA;
	s4 =	simm.s32 $0x10  }
0x92: {  	[smem:s4], [sflag:s15] =	dma.local [hbm:s2], $0x1  }
0x93: {  	_ =	swait.eq [sflag:s15], $0x1  }
0x94: {  	[sflag:s15] =	ssyncset.done $0x0  }
0x95: {  	s16 =	sld [smem:$0x11];
	[sflag:s15] =	ssyncadd.s32 $0xFFFFFFFF  }
0x96: {  	s17 =	sld [smem:$0x13];
	(tm) =	ssettm $0x1  }
0x97: {  	s18 =	sld [smem:$0x3FFB];
	_ =	sdelay $0x3  }
0x98: {  	_ =	strace s18  }
0x99: {  	s4 =	sld [smem:$0x3FFC];
	_ =	sdelay $0x3  }
0x9a: {  	_ =	strace s4  }
0x9b: {  	s4 =	sld [smem:$0x3FFD];
	_ =	sdelay $0x3  }
0x9c: {  	_ =	strace s4  }
0x9d: {  	_ =	strace $0x8FFFFFFF  }
0x9e: {  	s19 =	sld [smem:$0x3FDB];
	_ =	sdelay $0x1  }
0x9f: {  	s5 =	simm.s32 $_scs_section_size  }
0xa0: {  	s6 =	simm.s32 $_size__tile_overlayer_lowered;
	s7 =	simm.s32 $_tile_overlayer_lowered  }
0xa1: {  	s22 =	simm.s32 $0x1BFF;
	s21 =	sshll.u32 s7, $0x1;
	s4 =	sadd.s32 s5, s19  }
0xa2: {  	s8 =	simm.s32 $0x0;
	s20 =	sshll.u32 s6, $0x1;
	s6 =	sadd.s32 s21, s4  }
0xa3: {  	[timem:s8], [sflag:s22] =	dma.local [hbm:s6], s20  }
0xa4: {  	_ =	swait.ge [sflag:s22], s20  }
0xa5: {  	s5 =	ssub.s32 $0x0, s20;
	[sflag:s22] =	ssyncset.done $0x0  }
0xa6: {  	[sflag:s22] =	ssyncadd.s32 s5;
	_ =	sdelay $0x1  }
0xa7: {  	s23 =	simm.s32 $0x1B8B  }
0xa8: {  	_ =	swait.ge [sflag:s23], $0x1  }
0xa9: {  	[sflag:s23] =	ssyncset.done $0x0  }
0xaa: {  	s25 =	simm.s32 $0x1B8E;
	s24 =	sld [smem:$0x3FFE];
	[sflag:s23] =	ssyncadd.s32 $0xFFFFFFFF  }
0xab: {  	s26 =	simm.s32 $execute0_lowered;
	[smem:$0x3FD2] =	sst s25  }
0xac: {  	s6 =	sshll.u32 s26, $0x1;
	_ =	strace $0x80000046;
	[dreg:$0x1] =	wrdreg $0xFFFFFFFF  }
0xad: {  	s28 =	simm.s32 $_size_execute0_lowered;
	s4 =	sadd.s32 s4, s6;
	[dreg:$0x0] =	wrdreg $0x0  }
0xae: {  	s6 =	sshll.u32 s28, $0x1;
	[dreg:$0x2] =	wrdreg s4  }
0xaf: {  	[dreg:$0x3] =	wrdreg s6  }
0xb0: {  	[dreg:$0x4] =	wrdreg $0xC0  }
0xb1: {  	_ =	task [dreg:s8], $0x5FFFF  }
0xb2: {  	[dreg:$0x1] =	wrdreg $0xFFFFFFFF  }
0xb3: {  	[dreg:$0x0] =	wrdreg $0x60  }
0xb4: {  	[dreg:$0x2] =	wrdreg s16  }
0xb5: {  	[dreg:$0x3] =	wrdreg s17  }
0xb6: {  	[dreg:$0x4] =	wrdreg s24  }
0xb7: {  	[dreg:$0x5] =	wrdreg $0x9  }
0xb8: {  	_ =	task.clear_ibuf [dreg:s8], $0x6FFFF;
	_ =	strace $0x90000046  }
0xb9: {  	s29 =	simm.s32 $0x9;
	_ =	strace $0x80000048  }
0xba: {  	_ =	swait.ge [sflag:s29], $0x1  }
0xbb: {  	[sflag:s29] =	ssyncadd.s32 $0xFFFFFFFF  }
0xbc: {  	_ =	strace $0x90000048  }
0xbd: {  	_ =	sfence  }
0xbe: {  	s30 =	sld [smem:$0x0];
	_ =	sdelay $0x2  }
0xbf: {  	s31 =	sshll.u32 s1, $0xD;
	s1 =	sshrl.u32 s1, $0x2  }
0xc0: {  	s3 =	sand.u32 $0x4000, s31;
	s1 =	sadd.s32 s1, s30  }
0xc1: {  	s0 =	sor.u32 s3, s0;
	s1 =	sshll.u32 s1, $0x11  }
0xc2: {  	s0 =	sor.u32 s1, s0  }
0xc3: {  	s0 =	sadd.s32 $0x8F2B, s0  }
0xc4: {  	[sflag:s0] =	ssyncadd.remote.s32 $0x1  }
0xc5: {  	_ =	sfence.sel $0xFFFF  }
0xc6: {  	[dreg:$0x0] =	wrdreg $0xFFFFFFFF;
	(pc) =	sbr.abs _section_cstart, $3  }
0xc7: {  	[dreg:$0x1] =	wrdreg $0xFFFFFFFF  }
0xc8: {  	_ =	task.clear_ibuf [dreg:s8], $0x2FFFF;
	_ =	strace $0x9FFFFFFF  }
0xc9: {  	(tm) =	ssettm $0x7FFFFFFF  }
tec
execute0_lowered:
.L_overlay_start_1:
0x0: {  	(tag) =	ssettag $0x1  }
0x1: {  	s1 =	rddreg [dreg:$0x0];
	s2 =	srdreg.scid  }
0x2: {  	s4 =	rddreg [dreg:$0x1];
	s0 =	stileid.u32  }
0x3: {  	s8 =	rddreg [dreg:$0x2];
	s3 =	simm.s32 $0x0;
	s6 =	sand.u32 $0x1, s2  }
0x4: {  	s5 =	sshll.u32 s0, $0x8;
	s2 =	rddreg [dreg:$0x3];
	s7 =	sshll.u32 s6, $0x7  }
0x5: {  	[smem:$0x7FF] =	sst s3;
	s9 =	sor.u32 s7, s5  }
0x6: {  	_ =	strace $0x80000047;
	s10 =	ssub.s32 $0x2, s6;
	s5 =	sshrl.u32 s9, $0x3  }
0x7: {  	s6 =	simm.s32 $0x80;
	s5 =	sadd.s32 s4, s5;
	s4 =	simm.s32 $0x2  }
0x8: {  	[tilespmem:s3], [sflag:$0x2] =	stream.linear.gather [hbm4b:s5+s3], $0x80, $0x38;
	[tilespmem:$0x2080] =	vst v63  }
0x9: {  	s7 =	simm.s32 $0x1;
	s11 =	sshrl.u32 s10, $0x1;
	_ =	swait.ge [sflag:s4], $0x80  }
0xa: {  	s9 =	sshll.u32 s9, $0x3;
	s31 =	ssub.s32 s10, s11;
	[sflag:s4] =	ssyncset.done $0x0  }
0xb: {  	s8 =	sadd.s32 s9, s8;
	s9 =	smax.u32 s31, $0x1;
	[sflag:s4] =	ssyncadd.s32 $0xFFFFFF80  }
0xc: {  	[tilespmem:s6], [sflag:$0x1] =	stream.indirect.gather [hbm4b:s1+s6], $0x40, s3, s6, $0xb8;
	[tilespmem:$0x2080] =	vst v63  }
0xd: {  	p0 =	sne.s32 s9, $0x1;
	_ =	swait.ge [sflag:s7], $0x2000  }
.Ltmp0:
0xe: {  	[sflag:s7] =	ssyncset.done $0x0;
	(pc) =	sbr.rel @!p0 .LBB2_2-.Ltmp0, $4  }
0xf: {  	s8 =	sadd.s32 $0x3400, s8;
	[sflag:s7] =	ssyncadd.s32 $0xFFFFE000  }
0x10: {  	[hbm4b:s8+s3] =	stream.linear.scatter [tilespmem:s6], [sflag:$0x2], $0x2000, $0x38;
	[tilespmem:$0x2080] =	vst v63  }
0x11: {  	_ =	swait.ge [sflag:s4], $0x2000  }
0x12: {  	s9 =	sadd.s32 $0xFFFFFFFF, s9;
	[sflag:s4] =	ssyncset.done $0x0  }
.LBB2_1:
0x13: {  	p0 =	sne.s32 s9, $0x1;
	s9 =	sadd.s32 $0xFFFFFFFF, s9;
	[sflag:s4] =	ssyncadd.s32 $0xFFFFE000  }
0x14: {  	[tilespmem:s3], [sflag:$0x2] =	stream.linear.gather [hbm4b:s5+s3], $0x80, $0x38;
	[tilespmem:$0x2080] =	vst v63  }
0x15: {  	_ =	swait.ge [sflag:s4], $0x80  }
0x16: {  	[sflag:s4] =	ssyncset.done $0x0  }
0x17: {  	[sflag:s4] =	ssyncadd.s32 $0xFFFFFF80  }
0x18: {  	[tilespmem:s6], [sflag:$0x1] =	stream.indirect.gather [hbm4b:s1+s6], $0x40, s3, s6, $0xb8;
	[tilespmem:$0x2080] =	vst v63  }
0x19: {  	_ =	swait.ge [sflag:s7], $0x2000  }
.Ltmp1:
0x1a: {  	[sflag:s7] =	ssyncset.done $0x0;
	(pc) =	sbr.rel @p0 .LBB2_1-.Ltmp1, $4  }
0x1b: {  	[sflag:s7] =	ssyncadd.s32 $0xFFFFE000  }
0x1c: {  	[hbm4b:s8+s3] =	stream.linear.scatter [tilespmem:s6], [sflag:$0x2], $0x2000, $0x38;
	[tilespmem:$0x2080] =	vst v63  }
0x1d: {  	_ =	swait.ge [sflag:s4], $0x2000  }
0x1e: {  	[sflag:s4] =	ssyncset.done $0x0  }
.LBB2_2:
0x1f: {  	[sflag:s4] =	ssyncadd.s32 $0xFFFFE000  }
0x20: {  	_ =	sfence.sel $0x180000  }
0x21: {  	[bflag:$0x0] =	sbarrier.arrive $0xFFFF  }
0x22: {  	p0 =	sne.s32 s0, $0x0;
	_ =	strace $0x90000047  }
0x23: {  	s0 =	sadd.s32 @!p0 $0x100000, s2;
	[bflag:$0x2] =	sbarrier.arrive $0xFFFF  }
0x24: {  	[sflag:s0] =	ssyncadd.tile.s32 @!p0 $0x1;
	_ =	shalt  }
.Lfunc_end2:
_tile_overlayer_lowered:
.L_overlay_start_2:
0x25: {  	(tag) =	ssettag $0x2  }
0x26: {  	s0 =	rddreg [dreg:$0x0];
	s2 =	stileid.u32  }
0x27: {  	s1 =	rddreg [dreg:$0x1];
	p0 =	sne.s32 s2, $0x0  }
0x28: {  	s3 =	rddreg [dreg:$0x2];
	[bflag:$0x3] =	sbarrier.arrive $0xFFFF;
	s2 =	simm.s32 @!p0 $0x1C02  }
0x29: {  	[timem:s3], [sflag:s2] =	dma.local @!p0 [hbm:s0], s1  }
0x2a: {  	s0 =	simm.s32 @!p0 $0x2  }
0x2b: {  	_ =	swait.ge @!p0 [sflag:s0], s1  }
0x2c: {  	s1 =	ssub.s32 @!p0 $0x0, s1;
	[sflag:s0] =	ssyncset.done @!p0 $0x0  }
0x2d: {  	[sflag:s0] =	ssyncadd.s32 @!p0 s1  }
0x2e: {  	[bflag:$0x3] =	sbarrier.arrive $0xFFFF  }
0x2f: {  	_ =	shalt  }

</sc_bundles>
